<compile_context>
chip_gen: v7x
topology: tpu7x:2x2x1
jax: 0.10.2.dev20260603
libtpu: 0.0.44.dev20260713+nightly
codegen_flags: <defaults>
</compile_context>

<pallas_src>
import functools

import jax
import jax.numpy as jnp
from jax import lax
from jax.experimental import pallas as pl
from jax.experimental.pallas import tpu as pltpu
from jax.experimental.pallas import tpu_sc as plsc

B, C, T = 16, 512, 4096
N = B * T
NUM_BINS = 10
TBLK = 256
NW = 16
TPW = N // NW
LANES = 16
CHUNKS = TPW // LANES


def _lse_body(x_ref, y_ref, cema_ref, gd_ref, raw_ref, p_ref, cw_ref,
              sgd_ref):
    x = x_ref[...]
    lse = jnp.log(jnp.sum(jnp.exp(x), axis=1))
    cls = lax.broadcasted_iota(jnp.int32, (1, C, 1), 1)
    mask = cls == y_ref[...][:, None, :]
    xy = jnp.max(jnp.where(mask, x, -3.0e38), axis=1)
    raw_ref[...] = lse - xy
    p_ref[...] = jnp.exp(xy - lse)
    scls = jnp.sqrt(cema_ref[...])[:, :, None]
    cw_ref[...] = jnp.max(jnp.where(mask, scls, -3.0e38), axis=1)
    sgd_ref[...] = jnp.sqrt(gd_ref[...])


def _lse(pred_logits, labels, cema, gd_pad):
    return pl.pallas_call(
        _lse_body,
        grid=(T // TBLK,),
        in_specs=[
            pl.BlockSpec((B, C, TBLK), lambda i: (0, 0, i)),
            pl.BlockSpec((B, TBLK), lambda i: (0, i)),
            pl.BlockSpec((1, C), lambda i: (0, 0)),
            pl.BlockSpec((1, 128), lambda i: (0, 0)),
        ],
        out_specs=[
            pl.BlockSpec((B, TBLK), lambda i: (0, i)),
            pl.BlockSpec((B, TBLK), lambda i: (0, i)),
            pl.BlockSpec((B, TBLK), lambda i: (0, i)),
            pl.BlockSpec((1, 128), lambda i: (0, 0)),
        ],
        out_shape=[
            jax.ShapeDtypeStruct((B, T), jnp.float32),
            jax.ShapeDtypeStruct((B, T), jnp.float32),
            jax.ShapeDtypeStruct((B, T), jnp.float32),
            jax.ShapeDtypeStruct((1, 128), jnp.float32),
        ],
    )(pred_logits, labels, cema, gd_pad)


def _sc_body(raw_hbm, p_hbm, cw_hbm, sgd_hbm, out_hbm,
             raw_v, p_v, cw_v, gd_v, acc_v, sem):
    wid = lax.axis_index("s")
    base = wid * TPW

    pltpu.sync_copy(raw_hbm.at[pl.ds(base, TPW)], raw_v)
    pltpu.sync_copy(p_hbm.at[pl.ds(base, TPW)], p_v)
    pltpu.sync_copy(cw_hbm.at[pl.ds(base, TPW)], cw_v)
    pltpu.sync_copy(sgd_hbm.at[pl.ds(0, LANES)], gd_v)

    g = gd_v[...]
    gs = [g[j] for j in range(NUM_BINS)]

    def tok_body(i, acc):
        o = i * LANES
        p = p_v[pl.ds(o, LANES)]
        raw = raw_v[pl.ds(o, LANES)]
        cw = cw_v[pl.ds(o, LANES)]
        bin16 = jnp.clip(((1.0 - p) * NUM_BINS).astype(jnp.int32),
                         0, NUM_BINS - 1)
        gw = jnp.full((LANES,), gs[NUM_BINS - 1], jnp.float32)
        for j in range(NUM_BINS - 2, -1, -1):
            gw = jnp.where(bin16 == j, gs[j], gw)
        w = jnp.maximum(cw * gw, 1e-10)
        return acc + raw / w

    acc = lax.fori_loop(0, CHUNKS, tok_body, jnp.zeros((LANES,), jnp.float32))
    acc_v[...] = acc * (1.0 / N)
    pltpu.sync_copy(acc_v, out_hbm.at[wid])


@functools.lru_cache(maxsize=1)
def _sc_combine():
    return pl.kernel(
        _sc_body,
        out_type=jax.ShapeDtypeStruct((NW, LANES), jnp.float32),
        mesh=plsc.VectorSubcoreMesh(
            core_axis_name="c", subcore_axis_name="s",
            num_cores=1, num_subcores=16),
        scratch_types=[
            pltpu.VMEM((TPW,), jnp.float32),
            pltpu.VMEM((TPW,), jnp.float32),
            pltpu.VMEM((TPW,), jnp.float32),
            pltpu.VMEM((LANES,), jnp.float32),
            pltpu.VMEM((LANES,), jnp.float32),
            pltpu.SemaphoreType.DMA,
        ],
    )


def _reduce_body(p_ref, o_ref):
    o_ref[...] = jnp.sum(p_ref[...]).reshape(1, 1)


def _reduce(partials):
    return pl.pallas_call(
        _reduce_body,
        out_shape=jax.ShapeDtypeStruct((1, 1), jnp.float32),
    )(partials)


def kernel(pred_logits, target_label, GD_ema, class_ema):
    labels = target_label.astype(jnp.int32)
    gd_pad = jnp.pad(GD_ema, (0, 128 - NUM_BINS)).reshape(1, 128)
    raw, p, cw, sgd = _lse(pred_logits, labels, class_ema.reshape(1, C),
                           gd_pad)
    partials = _sc_combine()(
        raw.reshape(-1),
        p.reshape(-1),
        cw.reshape(-1),
        sgd.reshape(-1),
    )
    return _reduce(partials)[0, 0]

# --- scband reference (transcript-rebuilt; emitter-appended) ---
"""Pipeline reference for scband-ghmloss-31061203485129 (READ-ONLY COPY).

The authoritative reference and input builder live on the scoring server;
editing this copy changes nothing except your own understanding.
"""

import jax, jax.numpy as jnp
import numpy as np

NUM_CLASSES = 512
NUM_BINS = 10
LABEL_SMOOTHING = 0.0


def setup_inputs(seed: int = 0) -> dict:
    key = jax.random.key(seed)
    k1, k2 = jax.random.split(key)
    pred_logits = jax.random.normal(k1, (16, 512, 4096), dtype=jnp.float32)
    target_label = jax.random.randint(k2, (16, 4096), 0, NUM_CLASSES)
    GD_ema = jnp.ones((NUM_BINS,), dtype=jnp.float32)
    class_ema = jnp.ones((NUM_CLASSES,), dtype=jnp.float32)
    return {"pred_logits": pred_logits, "target_label": target_label,
            "GD_ema": GD_ema, "class_ema": class_ema}


def reference(pred_logits, target_label, GD_ema, class_ema):
    B, C, T = pred_logits.shape
    mask = jnp.ones_like(pred_logits)
    time_mask = jnp.any(mask > 0, axis=1).astype(jnp.float32)  # [B, T]
    valid_elements = jnp.clip(jnp.sum(time_mask), 1.0, None)
    pred_logits_masked = pred_logits - 1e9 * (1.0 - mask)
    target_prob = jax.nn.one_hot(target_label, C, dtype=jnp.float32)  # [B, T, C]
    target_prob = jnp.clip(target_prob, LABEL_SMOOTHING, 1.0 - LABEL_SMOOTHING)
    target_prob = jnp.transpose(target_prob, (0, 2, 1)) * mask  # [B, C, T]
    # CrossEntropyLoss(reduction='none') with soft targets over class dim=1
    log_probs = jax.nn.log_softmax(pred_logits_masked, axis=1)
    raw_loss = -jnp.sum(target_prob * log_probs, axis=1)  # [B, T]
    pred_probs = jax.lax.stop_gradient(jax.nn.softmax(pred_logits_masked, axis=1))
    GD = jnp.abs(pred_probs - target_prob)  # [B, C, T]
    GD_target = jnp.take_along_axis(GD, target_label[:, None, :], axis=1)[:, 0, :]  # [B, T]
    GD_index = jnp.clip(jnp.floor(GD_target * NUM_BINS).astype(jnp.int32), 0, NUM_BINS - 1)
    class_weights = jax.lax.stop_gradient(jnp.take(class_ema, target_label, axis=0))
    GD_weights = jax.lax.stop_gradient(jnp.take(GD_ema, GD_index, axis=0))
    weights = jnp.sqrt(class_weights * GD_weights)
    loss_weighted = raw_loss / jnp.clip(weights, 1e-10, None) * time_mask
    loss_final = jnp.sum(loss_weighted) / valid_elements
    return loss_final

if __name__ == "__main__":
    import jax
    _d = setup_inputs()
    print(jax.jit(kernel)(*tuple(_d.values())))

</pallas_src>

<mosaic_0001>
#map = affine_map<(d0, d1) -> (0)>
#map1 = affine_map<(d0, d1) -> (0, 0)>
module attributes {stable_mosaic.version = 14 : i64} {
  func.func @_sc_body(%arg0: i32, %arg1: i32, %arg2: memref<65536xf32, #tpu.memory_space<hbm>>, %arg3: memref<65536xf32, #tpu.memory_space<hbm>>, %arg4: memref<65536xf32, #tpu.memory_space<hbm>>, %arg5: memref<128xf32, #tpu.memory_space<hbm>>, %arg6: memref<16x16xf32, #tpu.memory_space<hbm>>, %arg7: memref<4096xf32, #tpu.memory_space<vmem>>, %arg8: memref<4096xf32, #tpu.memory_space<vmem>>, %arg9: memref<4096xf32, #tpu.memory_space<vmem>>, %arg10: memref<16xf32, #tpu.memory_space<vmem>>, %arg11: memref<16xf32, #tpu.memory_space<vmem>>, %arg12: memref<!tpu.dma_semaphore, #tpu.memory_space<semaphore_mem>>) attributes {dimension_semantics = [#tpu.dimension_semantics<core_parallel>, #tpu.dimension_semantics<subcore_parallel>], iteration_bounds = array<i64: 1, 16>, scalar_prefetch = 0 : i64, scratch_operands = 6 : i64, tpu.core_type = #tpu.core_type<sc_vector_subcore>, window_params = [{transform_indices = #map}, {transform_indices = #map}, {transform_indices = #map}, {transform_indices = #map}, {transform_indices = #map1}]} {
    %mul3A = arith.constant 4096 : i32
    %mul3A_0 = arith.muli %arg1, %mul3A : i32
    "tpu.region"() ({
      %run_scoped3A = tpu.sem_alloc : memref<!tpu.dma_semaphore, #tpu.memory_space<semaphore_mem>>
      %dma_start3A = tpu.memref_slice %arg2[%mul3A_0] : memref<65536xf32, #tpu.memory_space<hbm>> -> memref<4096xf32, #tpu.memory_space<hbm>>
      %dma_start3A_33 = tpu.memref_slice %arg2[%mul3A_0] : memref<65536xf32, #tpu.memory_space<hbm>> -> memref<4096xf32, #tpu.memory_space<hbm>>
      tpu.enqueue_dma source(%dma_start3A_33 : memref<4096xf32, #tpu.memory_space<hbm>>) target(%arg7 : memref<4096xf32, #tpu.memory_space<vmem>>) target_semaphore(%run_scoped3A : memref<!tpu.dma_semaphore, #tpu.memory_space<semaphore_mem>>)
      %dma_wait3A = tpu.memref_slice %arg2[%mul3A_0] : memref<65536xf32, #tpu.memory_space<hbm>> -> memref<4096xf32, #tpu.memory_space<hbm>>
      %dma_wait3A_34 = tpu.memref_slice %arg2[%mul3A_0] : memref<65536xf32, #tpu.memory_space<hbm>> -> memref<4096xf32, #tpu.memory_space<hbm>>
      tpu.wait_dma2 semaphore(%run_scoped3A : memref<!tpu.dma_semaphore, #tpu.memory_space<semaphore_mem>>) src(%dma_wait3A_34 : memref<4096xf32, #tpu.memory_space<hbm>>) dst(%arg7 : memref<4096xf32, #tpu.memory_space<vmem>>)
      tpu.yield
    }) : () -> ()
    "tpu.region"() ({
      %run_scoped3A = tpu.sem_alloc : memref<!tpu.dma_semaphore, #tpu.memory_space<semaphore_mem>>
      %dma_start3A = tpu.memref_slice %arg3[%mul3A_0] : memref<65536xf32, #tpu.memory_space<hbm>> -> memref<4096xf32, #tpu.memory_space<hbm>>
      %dma_start3A_33 = tpu.memref_slice %arg3[%mul3A_0] : memref<65536xf32, #tpu.memory_space<hbm>> -> memref<4096xf32, #tpu.memory_space<hbm>>
      tpu.enqueue_dma source(%dma_start3A_33 : memref<4096xf32, #tpu.memory_space<hbm>>) target(%arg8 : memref<4096xf32, #tpu.memory_space<vmem>>) target_semaphore(%run_scoped3A : memref<!tpu.dma_semaphore, #tpu.memory_space<semaphore_mem>>)
      %dma_wait3A = tpu.memref_slice %arg3[%mul3A_0] : memref<65536xf32, #tpu.memory_space<hbm>> -> memref<4096xf32, #tpu.memory_space<hbm>>
      %dma_wait3A_34 = tpu.memref_slice %arg3[%mul3A_0] : memref<65536xf32, #tpu.memory_space<hbm>> -> memref<4096xf32, #tpu.memory_space<hbm>>
      tpu.wait_dma2 semaphore(%run_scoped3A : memref<!tpu.dma_semaphore, #tpu.memory_space<semaphore_mem>>) src(%dma_wait3A_34 : memref<4096xf32, #tpu.memory_space<hbm>>) dst(%arg8 : memref<4096xf32, #tpu.memory_space<vmem>>)
      tpu.yield
    }) : () -> ()
    "tpu.region"() ({
      %run_scoped3A = tpu.sem_alloc : memref<!tpu.dma_semaphore, #tpu.memory_space<semaphore_mem>>
      %dma_start3A = tpu.memref_slice %arg4[%mul3A_0] : memref<65536xf32, #tpu.memory_space<hbm>> -> memref<4096xf32, #tpu.memory_space<hbm>>
      %dma_start3A_33 = tpu.memref_slice %arg4[%mul3A_0] : memref<65536xf32, #tpu.memory_space<hbm>> -> memref<4096xf32, #tpu.memory_space<hbm>>
      tpu.enqueue_dma source(%dma_start3A_33 : memref<4096xf32, #tpu.memory_space<hbm>>) target(%arg9 : memref<4096xf32, #tpu.memory_space<vmem>>) target_semaphore(%run_scoped3A : memref<!tpu.dma_semaphore, #tpu.memory_space<semaphore_mem>>)
      %dma_wait3A = tpu.memref_slice %arg4[%mul3A_0] : memref<65536xf32, #tpu.memory_space<hbm>> -> memref<4096xf32, #tpu.memory_space<hbm>>
      %dma_wait3A_34 = tpu.memref_slice %arg4[%mul3A_0] : memref<65536xf32, #tpu.memory_space<hbm>> -> memref<4096xf32, #tpu.memory_space<hbm>>
      tpu.wait_dma2 semaphore(%run_scoped3A : memref<!tpu.dma_semaphore, #tpu.memory_space<semaphore_mem>>) src(%dma_wait3A_34 : memref<4096xf32, #tpu.memory_space<hbm>>) dst(%arg9 : memref<4096xf32, #tpu.memory_space<vmem>>)
      tpu.yield
    }) : () -> ()
    "tpu.region"() ({
      %run_scoped3A = tpu.sem_alloc : memref<!tpu.dma_semaphore, #tpu.memory_space<semaphore_mem>>
      %dma_start3A = arith.constant 0 : i32
      %dma_start3A_33 = tpu.memref_slice %arg5[%dma_start3A] : memref<128xf32, #tpu.memory_space<hbm>> -> memref<16xf32, #tpu.memory_space<hbm>>
      %dma_start3A_34 = arith.constant 0 : i32
      %dma_start3A_35 = tpu.memref_slice %arg5[%dma_start3A_34] : memref<128xf32, #tpu.memory_space<hbm>> -> memref<16xf32, #tpu.memory_space<hbm>>
      tpu.enqueue_dma source(%dma_start3A_35 : memref<16xf32, #tpu.memory_space<hbm>>) target(%arg10 : memref<16xf32, #tpu.memory_space<vmem>>) target_semaphore(%run_scoped3A : memref<!tpu.dma_semaphore, #tpu.memory_space<semaphore_mem>>)
      %dma_wait3A = arith.constant 0 : i32
      %dma_wait3A_36 = tpu.memref_slice %arg5[%dma_wait3A] : memref<128xf32, #tpu.memory_space<hbm>> -> memref<16xf32, #tpu.memory_space<hbm>>
      %dma_wait3A_37 = arith.constant 0 : i32
      %dma_wait3A_38 = tpu.memref_slice %arg5[%dma_wait3A_37] : memref<128xf32, #tpu.memory_space<hbm>> -> memref<16xf32, #tpu.memory_space<hbm>>
      tpu.wait_dma2 semaphore(%run_scoped3A : memref<!tpu.dma_semaphore, #tpu.memory_space<semaphore_mem>>) src(%dma_wait3A_38 : memref<16xf32, #tpu.memory_space<hbm>>) dst(%arg10 : memref<16xf32, #tpu.memory_space<vmem>>)
      tpu.yield
    }) : () -> ()
    %get3A = arith.constant 0 : index
    %get3A_1 = tpu.vector_load %arg10[%get3A] {strides = array<i32>} : memref<16xf32, #tpu.memory_space<vmem>>, vector<16xf32>,
    %get3A_2 = vector.shape_cast %get3A_1 : vector<16xf32> to vector<16xf32>
    %slice3A = vector.extract_strided_slice %get3A_2 {offsets = [0], sizes = [1], strides = [1]} : vector<16xf32> to vector<1xf32>
    %squeeze3A = vector.extract %slice3A[0] : f32 from vector<1xf32>
    %slice3A_3 = vector.extract_strided_slice %get3A_2 {offsets = [1], sizes = [1], strides = [1]} : vector<16xf32> to vector<1xf32>
    %squeeze3A_4 = vector.extract %slice3A_3[0] : f32 from vector<1xf32>
    %slice3A_5 = vector.extract_strided_slice %get3A_2 {offsets = [2], sizes = [1], strides = [1]} : vector<16xf32> to vector<1xf32>
    %squeeze3A_6 = vector.extract %slice3A_5[0] : f32 from vector<1xf32>
    %slice3A_7 = vector.extract_strided_slice %get3A_2 {offsets = [3], sizes = [1], strides = [1]} : vector<16xf32> to vector<1xf32>
    %squeeze3A_8 = vector.extract %slice3A_7[0] : f32 from vector<1xf32>
    %slice3A_9 = vector.extract_strided_slice %get3A_2 {offsets = [4], sizes = [1], strides = [1]} : vector<16xf32> to vector<1xf32>
    %squeeze3A_10 = vector.extract %slice3A_9[0] : f32 from vector<1xf32>
    %slice3A_11 = vector.extract_strided_slice %get3A_2 {offsets = [5], sizes = [1], strides = [1]} : vector<16xf32> to vector<1xf32>
    %squeeze3A_12 = vector.extract %slice3A_11[0] : f32 from vector<1xf32>
    %slice3A_13 = vector.extract_strided_slice %get3A_2 {offsets = [6], sizes = [1], strides = [1]} : vector<16xf32> to vector<1xf32>
    %squeeze3A_14 = vector.extract %slice3A_13[0] : f32 from vector<1xf32>
    %slice3A_15 = vector.extract_strided_slice %get3A_2 {offsets = [7], sizes = [1], strides = [1]} : vector<16xf32> to vector<1xf32>
    %squeeze3A_16 = vector.extract %slice3A_15[0] : f32 from vector<1xf32>
    %slice3A_17 = vector.extract_strided_slice %get3A_2 {offsets = [8], sizes = [1], strides = [1]} : vector<16xf32> to vector<1xf32>
    %squeeze3A_18 = vector.extract %slice3A_17[0] : f32 from vector<1xf32>
    %slice3A_19 = vector.extract_strided_slice %get3A_2 {offsets = [9], sizes = [1], strides = [1]} : vector<16xf32> to vector<1xf32>
    %squeeze3A_20 = vector.extract %slice3A_19[0] : f32 from vector<1xf32>
    %broadcast_in_dim3A = arith.constant 0.000000e+00 : f32
    %broadcast_in_dim3A_21 = vector.broadcast %broadcast_in_dim3A : f32 to vector<16xf32>
    %scan3A = arith.constant 0 : i32
    %scan3A_22 = arith.constant 256 : i32
    %scan3A_23 = arith.addi %scan3A, %scan3A_22 : i32
    %scan3A_24 = arith.constant 1 : i32
    %scan3A_25 = scf.for %scan3A_33 = %scan3A to %scan3A_23 step %scan3A_24 iter_args(%scan3A_34 = %broadcast_in_dim3A_21) -> (vector<16xf32>)  : i32 {
      %mul3A_35 = arith.constant 16 : i32
      %mul3A_36 = arith.muli %scan3A_33, %mul3A_35 : i32
      %get3A_37 = arith.index_cast %mul3A_36 : i32 to index
      %get3A_38 = tpu.vector_load %arg8[%get3A_37] {strides = array<i32>} : memref<4096xf32, #tpu.memory_space<vmem>>, vector<16xf32>,
      %get3A_39 = vector.shape_cast %get3A_38 : vector<16xf32> to vector<16xf32>
      %get3A_40 = arith.index_cast %mul3A_36 : i32 to index
      %get3A_41 = tpu.vector_load %arg7[%get3A_40] {strides = array<i32>} : memref<4096xf32, #tpu.memory_space<vmem>>, vector<16xf32>,
      %get3A_42 = vector.shape_cast %get3A_41 : vector<16xf32> to vector<16xf32>
      %get3A_43 = arith.index_cast %mul3A_36 : i32 to index
      %get3A_44 = tpu.vector_load %arg9[%get3A_43] {strides = array<i32>} : memref<4096xf32, #tpu.memory_space<vmem>>, vector<16xf32>,
      %get3A_45 = vector.shape_cast %get3A_44 : vector<16xf32> to vector<16xf32>
      %sub3A = arith.constant 1.000000e+00 : f32
      %sub3A_46 = vector.broadcast %sub3A : f32 to vector<16xf32>
      %sub3A_47 = arith.subf %sub3A_46, %get3A_39 : vector<16xf32>
      %mul3A_48 = arith.constant 1.000000e+01 : f32
      %mul3A_49 = vector.broadcast %mul3A_48 : f32 to vector<16xf32>
      %mul3A_50 = arith.mulf %sub3A_47, %mul3A_49 : vector<16xf32>
      %convert_element_type3A = arith.fptosi %mul3A_50 : vector<16xf32> to vector<16xi32>
      %jit3A = arith.constant 0 : i32
      %jit3A_51 = arith.constant 9 : i32
      %max3A = vector.broadcast %jit3A : i32 to vector<16xi32>
      %max3A_52 = arith.maxsi %max3A, %convert_element_type3A : vector<16xi32>
      %min3A = vector.broadcast %jit3A_51 : i32 to vector<16xi32>
      %min3A_53 = arith.minsi %min3A, %max3A_52 : vector<16xi32>
      %broadcast_in_dim3A_54 = vector.broadcast %squeeze3A_20 : f32 to vector<16xf32>
      %eq3A = arith.constant 8 : i32
      %eq3A_55 = vector.broadcast %eq3A : i32 to vector<16xi32>
      %eq3A_56 = arith.cmpi eq, %min3A_53, %eq3A_55 : vector<16xi32>
      %broadcast_in_dim3A_57 = vector.broadcast %squeeze3A_18 : f32 to vector<16xf32>
      %select_n3A = arith.select %eq3A_56, %broadcast_in_dim3A_57, %broadcast_in_dim3A_54 : vector<16xi1>, vector<16xf32>
      %eq3A_58 = arith.constant 7 : i32
      %eq3A_59 = vector.broadcast %eq3A_58 : i32 to vector<16xi32>
      %eq3A_60 = arith.cmpi eq, %min3A_53, %eq3A_59 : vector<16xi32>
      %broadcast_in_dim3A_61 = vector.broadcast %squeeze3A_16 : f32 to vector<16xf32>
      %select_n3A_62 = arith.select %eq3A_60, %broadcast_in_dim3A_61, %select_n3A : vector<16xi1>, vector<16xf32>
      %eq3A_63 = arith.constant 6 : i32
      %eq3A_64 = vector.broadcast %eq3A_63 : i32 to vector<16xi32>
      %eq3A_65 = arith.cmpi eq, %min3A_53, %eq3A_64 : vector<16xi32>
      %broadcast_in_dim3A_66 = vector.broadcast %squeeze3A_14 : f32 to vector<16xf32>
      %select_n3A_67 = arith.select %eq3A_65, %broadcast_in_dim3A_66, %select_n3A_62 : vector<16xi1>, vector<16xf32>
      %eq3A_68 = arith.constant 5 : i32
      %eq3A_69 = vector.broadcast %eq3A_68 : i32 to vector<16xi32>
      %eq3A_70 = arith.cmpi eq, %min3A_53, %eq3A_69 : vector<16xi32>
      %broadcast_in_dim3A_71 = vector.broadcast %squeeze3A_12 : f32 to vector<16xf32>
      %select_n3A_72 = arith.select %eq3A_70, %broadcast_in_dim3A_71, %select_n3A_67 : vector<16xi1>, vector<16xf32>
      %eq3A_73 = arith.constant 4 : i32
      %eq3A_74 = vector.broadcast %eq3A_73 : i32 to vector<16xi32>
      %eq3A_75 = arith.cmpi eq, %min3A_53, %eq3A_74 : vector<16xi32>
      %broadcast_in_dim3A_76 = vector.broadcast %squeeze3A_10 : f32 to vector<16xf32>
      %select_n3A_77 = arith.select %eq3A_75, %broadcast_in_dim3A_76, %select_n3A_72 : vector<16xi1>, vector<16xf32>
      %eq3A_78 = arith.constant 3 : i32
      %eq3A_79 = vector.broadcast %eq3A_78 : i32 to vector<16xi32>
      %eq3A_80 = arith.cmpi eq, %min3A_53, %eq3A_79 : vector<16xi32>
      %broadcast_in_dim3A_81 = vector.broadcast %squeeze3A_8 : f32 to vector<16xf32>
      %select_n3A_82 = arith.select %eq3A_80, %broadcast_in_dim3A_81, %select_n3A_77 : vector<16xi1>, vector<16xf32>
      %eq3A_83 = arith.constant 2 : i32
      %eq3A_84 = vector.broadcast %eq3A_83 : i32 to vector<16xi32>
      %eq3A_85 = arith.cmpi eq, %min3A_53, %eq3A_84 : vector<16xi32>
      %broadcast_in_dim3A_86 = vector.broadcast %squeeze3A_6 : f32 to vector<16xf32>
      %select_n3A_87 = arith.select %eq3A_85, %broadcast_in_dim3A_86, %select_n3A_82 : vector<16xi1>, vector<16xf32>
      %eq3A_88 = arith.constant 1 : i32
      %eq3A_89 = vector.broadcast %eq3A_88 : i32 to vector<16xi32>
      %eq3A_90 = arith.cmpi eq, %min3A_53, %eq3A_89 : vector<16xi32>
      %broadcast_in_dim3A_91 = vector.broadcast %squeeze3A_4 : f32 to vector<16xf32>
      %select_n3A_92 = arith.select %eq3A_90, %broadcast_in_dim3A_91, %select_n3A_87 : vector<16xi1>, vector<16xf32>
      %eq3A_93 = arith.constant 0 : i32
      %eq3A_94 = vector.broadcast %eq3A_93 : i32 to vector<16xi32>
      %eq3A_95 = arith.cmpi eq, %min3A_53, %eq3A_94 : vector<16xi32>
      %broadcast_in_dim3A_96 = vector.broadcast %squeeze3A : f32 to vector<16xf32>
      %select_n3A_97 = arith.select %eq3A_95, %broadcast_in_dim3A_96, %select_n3A_92 : vector<16xi1>, vector<16xf32>
      %mul3A_98 = arith.mulf %get3A_45, %select_n3A_97 : vector<16xf32>
      %max3A_99 = arith.constant 1.000000e-10 : f32
      %max3A_100 = vector.broadcast %max3A_99 : f32 to vector<16xf32>
      %max3A_101 = arith.maximumf %mul3A_98, %max3A_100 : vector<16xf32>
      %div3A = arith.divf %get3A_42, %max3A_101 : vector<16xf32>
      %add3A = arith.addf %scan3A_34, %div3A : vector<16xf32>
      scf.yield %add3A : vector<16xf32>
    }
    %scan3A_26 = arith.constant 256 : i32
    %mul3A_27 = arith.constant 1.52587891E-5 : f32
    %mul3A_28 = vector.broadcast %mul3A_27 : f32 to vector<16xf32>
    %mul3A_29 = arith.mulf %scan3A_25, %mul3A_28 : vector<16xf32>
    %swap3A = arith.constant 0 : index
    %swap3A_30 = tpu.vector_load %arg11[%swap3A] {strides = array<i32>} : memref<16xf32, #tpu.memory_space<vmem>>, vector<16xf32>,
    %swap3A_31 = vector.shape_cast %swap3A_30 : vector<16xf32> to vector<16xf32>
    %swap3A_32 = vector.shape_cast %mul3A_29 : vector<16xf32> to vector<16xf32>
    tpu.vector_store %arg11[%swap3A], %swap3A_32 {strides = array<i32>} : memref<16xf32, #tpu.memory_space<vmem>>, vector<16xf32>,
    "tpu.region"() ({
      %run_scoped3A = tpu.sem_alloc : memref<!tpu.dma_semaphore, #tpu.memory_space<semaphore_mem>>
      %dma_start3A = arith.constant 0 : i32
      %dma_start3A_33 = tpu.memref_slice %arg6[%arg1, %dma_start3A] : memref<16x16xf32, #tpu.memory_space<hbm>> -> memref<1x16xf32, #tpu.memory_space<hbm>>
      %dma_start3A_34 = tpu.memref_squeeze %dma_start3A_33 : memref<1x16xf32, #tpu.memory_space<hbm>> -> memref<16xf32, #tpu.memory_space<hbm>>
      %dma_start3A_35 = arith.constant 0 : i32
      %dma_start3A_36 = tpu.memref_slice %arg6[%arg1, %dma_start3A_35] : memref<16x16xf32, #tpu.memory_space<hbm>> -> memref<1x16xf32, #tpu.memory_space<hbm>>
      %dma_start3A_37 = tpu.memref_squeeze %dma_start3A_36 : memref<1x16xf32, #tpu.memory_space<hbm>> -> memref<16xf32, #tpu.memory_space<hbm>>
      tpu.enqueue_dma source(%arg11 : memref<16xf32, #tpu.memory_space<vmem>>) target(%dma_start3A_37 : memref<16xf32, #tpu.memory_space<hbm>>) target_semaphore(%run_scoped3A : memref<!tpu.dma_semaphore, #tpu.memory_space<semaphore_mem>>)
      %dma_wait3A = arith.constant 0 : i32
      %dma_wait3A_38 = tpu.memref_slice %arg6[%arg1, %dma_wait3A] : memref<16x16xf32, #tpu.memory_space<hbm>> -> memref<1x16xf32, #tpu.memory_space<hbm>>
      %dma_wait3A_39 = tpu.memref_squeeze %dma_wait3A_38 : memref<1x16xf32, #tpu.memory_space<hbm>> -> memref<16xf32, #tpu.memory_space<hbm>>
      %dma_wait3A_40 = arith.constant 0 : i32
      %dma_wait3A_41 = tpu.memref_slice %arg6[%arg1, %dma_wait3A_40] : memref<16x16xf32, #tpu.memory_space<hbm>> -> memref<1x16xf32, #tpu.memory_space<hbm>>
      %dma_wait3A_42 = tpu.memref_squeeze %dma_wait3A_41 : memref<1x16xf32, #tpu.memory_space<hbm>> -> memref<16xf32, #tpu.memory_space<hbm>>
      tpu.wait_dma2 semaphore(%run_scoped3A : memref<!tpu.dma_semaphore, #tpu.memory_space<semaphore_mem>>) src(%arg11 : memref<16xf32, #tpu.memory_space<vmem>>) dst(%dma_wait3A_42 : memref<16xf32, #tpu.memory_space<hbm>>)
      tpu.yield
    }) : () -> ()
    return
  }
}

module attributes {stable_mosaic.version = 14 : i64} {
  func.func @_reduce_body(%arg0: memref<16x16xf32, #tpu.memory_space<vmem>>, %arg1: memref<1x1xf32, #tpu.memory_space<vmem>>) attributes {dimension_semantics = [], scalar_prefetch = 0 : i64, scratch_operands = 0 : i64, tpu.core_type = #tpu.core_type<tc>} {
    %get3A = arith.constant 0 : index
    %get3A_0 = arith.constant 0 : index
    %get3A_1 = vector.load %arg0[%get3A, %get3A_0] : memref<16x16xf32, #tpu.memory_space<vmem>>, vector<16x16xf32>
    %reduce_sum3A = vector.shape_cast %get3A_1 : vector<16x16xf32> to vector<1x16x16xf32>
    %reduce_sum3A_2 = arith.constant dense<0.000000e+00> : vector<1xf32>
    %reduce_sum3A_3 = vector.multi_reduction <add>, %reduce_sum3A, %reduce_sum3A_2 [1, 2] : vector<1x16x16xf32> to vector<1xf32>
    %reduce_sum3A_4 = vector.shape_cast %reduce_sum3A_3 : vector<1xf32> to vector<1x1x1xf32>
    %reduce_sum3A_5 = vector.extract %reduce_sum3A_4[0, 0, 0] : f32 from vector<1x1x1xf32>
    %reshape3A = vector.broadcast %reduce_sum3A_5 : f32 to vector<1x1xf32>
    %swap3A = arith.constant 0 : index
    %swap3A_6 = arith.constant 0 : index
    %swap3A_7 = vector.load %arg1[%swap3A, %swap3A_6] : memref<1x1xf32, #tpu.memory_space<vmem>>, vector<1x1xf32>
    tpu.vector_store %arg1[%swap3A, %swap3A_6], %reshape3A {strides = array<i32>} : memref<1x1xf32, #tpu.memory_space<vmem>>, vector<1x1xf32>,
    return
  }
}

module attributes {stable_mosaic.version = 14 : i64} {
  func.func @_lse_body(%arg0: i32, %arg1: memref<16x512x256xf32, #tpu.memory_space<vmem>>, %arg2: memref<16x256xi32, #tpu.memory_space<vmem>>, %arg3: memref<1x512xf32, #tpu.memory_space<vmem>>, %arg4: memref<1x128xf32, #tpu.memory_space<vmem>>, %arg5: memref<16x256xf32, #tpu.memory_space<vmem>>, %arg6: memref<16x256xf32, #tpu.memory_space<vmem>>, %arg7: memref<16x256xf32, #tpu.memory_space<vmem>>, %arg8: memref<1x128xf32, #tpu.memory_space<vmem>>) attributes {dimension_semantics = [#tpu.dimension_semantics<arbitrary>], iteration_bounds = array<i64: 16>, scalar_prefetch = 0 : i64, scratch_operands = 0 : i64, tpu.core_type = #tpu.core_type<tc>, window_params = [{transform_indices = @transform_0, window_bounds = array<i64: 16, 512, 256>}, {transform_indices = @transform_1, window_bounds = array<i64: 16, 256>}, {pipeline_mode = #tpu.pipeline_mode<synchronous>, transform_indices = @transform_2, window_bounds = array<i64: 1, 512>}, {pipeline_mode = #tpu.pipeline_mode<synchronous>, transform_indices = @transform_3, window_bounds = array<i64: 1, 128>}, {transform_indices = @transform_4, window_bounds = array<i64: 16, 256>}, {transform_indices = @transform_5, window_bounds = array<i64: 16, 256>}, {transform_indices = @transform_6, window_bounds = array<i64: 16, 256>}, {pipeline_mode = #tpu.pipeline_mode<synchronous>, transform_indices = @transform_7, window_bounds = array<i64: 1, 128>}]} {
    %get3A = arith.constant 0 : index
    %get3A_0 = arith.constant 0 : index
    %get3A_1 = arith.constant 0 : index
    %get3A_2 = vector.load %arg1[%get3A, %get3A_0, %get3A_1] : memref<16x512x256xf32, #tpu.memory_space<vmem>>, vector<16x512x256xf32>
    %exp3A = math.exp %get3A_2 : vector<16x512x256xf32>
    %reduce_sum3A = arith.constant dense<0.000000e+00> : vector<16x256xf32>
    %reduce_sum3A_3 = vector.multi_reduction <add>, %exp3A, %reduce_sum3A [1] : vector<16x512x256xf32> to vector<16x256xf32>
    %log3A = math.log %reduce_sum3A_3 : vector<16x256xf32>
    %iota3A = tpu.iota {dimensions = array<i32: 1>} : vector<1x512x1xi32>
    %get3A_4 = arith.constant 0 : index
    %get3A_5 = arith.constant 0 : index
    %get3A_6 = vector.load %arg2[%get3A_4, %get3A_5] : memref<16x256xi32, #tpu.memory_space<vmem>>, vector<16x256xi32>
    %broadcast_in_dim3A = vector.shape_cast %get3A_6 : vector<16x256xi32> to vector<16x1x256xi32>
    %eq3A = vector.broadcast %iota3A : vector<1x512x1xi32> to vector<16x512x256xi32>
    %eq3A_7 = vector.broadcast %broadcast_in_dim3A : vector<16x1x256xi32> to vector<16x512x256xi32>
    %eq3A_8 = arith.cmpi eq, %eq3A, %eq3A_7 : vector<16x512x256xi32>
    %jit3A = arith.constant -3.000000e+38 : f32
    %broadcast_in_dim3A_9 = vector.broadcast %jit3A : f32 to vector<16x512x256xf32>
    %select_n3A = arith.select %eq3A_8, %get3A_2, %broadcast_in_dim3A_9 : vector<16x512x256xi1>, vector<16x512x256xf32>
    %reduce_max3A = arith.constant dense<0xFF800000> : vector<16x256xf32>
    %reduce_max3A_10 = vector.multi_reduction <maximumf>, %select_n3A, %reduce_max3A [1] : vector<16x512x256xf32> to vector<16x256xf32>
    %sub3A = arith.subf %log3A, %reduce_max3A_10 : vector<16x256xf32>
    %swap3A = arith.constant 0 : index
    %swap3A_11 = arith.constant 0 : index
    %swap3A_12 = vector.load %arg5[%swap3A, %swap3A_11] : memref<16x256xf32, #tpu.memory_space<vmem>>, vector<16x256xf32>
    tpu.vector_store %arg5[%swap3A, %swap3A_11], %sub3A {strides = array<i32>} : memref<16x256xf32, #tpu.memory_space<vmem>>, vector<16x256xf32>,
    %sub3A_13 = arith.subf %reduce_max3A_10, %log3A : vector<16x256xf32>
    %exp3A_14 = math.exp %sub3A_13 : vector<16x256xf32>
    %swap3A_15 = arith.constant 0 : index
    %swap3A_16 = arith.constant 0 : index
    %swap3A_17 = vector.load %arg6[%swap3A_15, %swap3A_16] : memref<16x256xf32, #tpu.memory_space<vmem>>, vector<16x256xf32>
    tpu.vector_store %arg6[%swap3A_15, %swap3A_16], %exp3A_14 {strides = array<i32>} : memref<16x256xf32, #tpu.memory_space<vmem>>, vector<16x256xf32>,
    %get3A_18 = arith.constant 0 : index
    %get3A_19 = arith.constant 0 : index
    %get3A_20 = vector.load %arg3[%get3A_18, %get3A_19] : memref<1x512xf32, #tpu.memory_space<vmem>>, vector<1x512xf32>
    %sqrt3A = math.sqrt %get3A_20 : vector<1x512xf32>
    %broadcast_in_dim3A_21 = vector.shape_cast %sqrt3A : vector<1x512xf32> to vector<1x512x1xf32>
    %jit3A_22 = arith.constant -3.000000e+38 : f32
    %broadcast_in_dim3A_23 = vector.shape_cast %broadcast_in_dim3A_21 : vector<1x512x1xf32> to vector<1x512x1xf32>
    %broadcast_in_dim3A_24 = vector.broadcast %broadcast_in_dim3A_23 : vector<1x512x1xf32> to vector<16x512x256xf32>
    %broadcast_in_dim3A_25 = vector.broadcast %jit3A_22 : f32 to vector<16x512x256xf32>
    %select_n3A_26 = arith.select %eq3A_8, %broadcast_in_dim3A_24, %broadcast_in_dim3A_25 : vector<16x512x256xi1>, vector<16x512x256xf32>
    %reduce_max3A_27 = arith.constant dense<0xFF800000> : vector<16x256xf32>
    %reduce_max3A_28 = vector.multi_reduction <maximumf>, %select_n3A_26, %reduce_max3A_27 [1] : vector<16x512x256xf32> to vector<16x256xf32>
    %swap3A_29 = arith.constant 0 : index
    %swap3A_30 = arith.constant 0 : index
    %swap3A_31 = vector.load %arg7[%swap3A_29, %swap3A_30] : memref<16x256xf32, #tpu.memory_space<vmem>>, vector<16x256xf32>
    tpu.vector_store %arg7[%swap3A_29, %swap3A_30], %reduce_max3A_28 {strides = array<i32>} : memref<16x256xf32, #tpu.memory_space<vmem>>, vector<16x256xf32>,
    %get3A_32 = arith.constant 0 : index
    %get3A_33 = arith.constant 0 : index
    %get3A_34 = vector.load %arg4[%get3A_32, %get3A_33] : memref<1x128xf32, #tpu.memory_space<vmem>>, vector<1x128xf32>
    %sqrt3A_35 = math.sqrt %get3A_34 : vector<1x128xf32>
    %swap3A_36 = arith.constant 0 : index
    %swap3A_37 = arith.constant 0 : index
    %swap3A_38 = vector.load %arg8[%swap3A_36, %swap3A_37] : memref<1x128xf32, #tpu.memory_space<vmem>>, vector<1x128xf32>
    tpu.vector_store %arg8[%swap3A_36, %swap3A_37], %sqrt3A_35 {strides = array<i32>} : memref<1x128xf32, #tpu.memory_space<vmem>>, vector<1x128xf32>,
    return
  }
  func.func @transform_0(%arg0: i32) -> (i32, i32, i32) {
    %c0_i32 = arith.constant 0 : i32
    %c0_i32_0 = arith.constant 0 : i32
    %c0_i32_1 = arith.constant 0 : i32
    return %c0_i32, %c0_i32_0, %arg0 : i32, i32, i32
  }
  func.func @transform_1(%arg0: i32) -> (i32, i32) {
    %c0_i32 = arith.constant 0 : i32
    %c0_i32_0 = arith.constant 0 : i32
    return %c0_i32, %arg0 : i32, i32
  }
  func.func @transform_2(%arg0: i32) -> (i32, i32) {
    %c0_i32 = arith.constant 0 : i32
    %c0_i32_0 = arith.constant 0 : i32
    %c0_i32_1 = arith.constant 0 : i32
    return %c0_i32, %c0_i32_0 : i32, i32
  }
  func.func @transform_3(%arg0: i32) -> (i32, i32) {
    %c0_i32 = arith.constant 0 : i32
    %c0_i32_0 = arith.constant 0 : i32
    %c0_i32_1 = arith.constant 0 : i32
    return %c0_i32, %c0_i32_0 : i32, i32
  }
  func.func @transform_4(%arg0: i32) -> (i32, i32) {
    %c0_i32 = arith.constant 0 : i32
    %c0_i32_0 = arith.constant 0 : i32
    return %c0_i32, %arg0 : i32, i32
  }
  func.func @transform_5(%arg0: i32) -> (i32, i32) {
    %c0_i32 = arith.constant 0 : i32
    %c0_i32_0 = arith.constant 0 : i32
    return %c0_i32, %arg0 : i32, i32
  }
  func.func @transform_6(%arg0: i32) -> (i32, i32) {
    %c0_i32 = arith.constant 0 : i32
    %c0_i32_0 = arith.constant 0 : i32
    return %c0_i32, %arg0 : i32, i32
  }
  func.func @transform_7(%arg0: i32) -> (i32, i32) {
    %c0_i32 = arith.constant 0 : i32
    %c0_i32_0 = arith.constant 0 : i32
    %c0_i32_1 = arith.constant 0 : i32
    return %c0_i32, %c0_i32_0 : i32, i32
  }
}

</mosaic_0001>

<sc_bundles>
// kernel: kernel.5.cloned.1.call-start
scs
__scs_entry_jumppad:
0x0: {  	(pc) =	sbr.rel $0x88, $3  }
0x1: {  	(tag) =	ssettag $0x0;
	lr =	simm.s32 $0x1  }
0x2: {  	[smem:$0x3F9D] =	sst lr;
	_ =	strace $0xD0000000  }
0x3: {  	_ = 	snop  }
0x4: {  	_ = 	snop  }
0x5: {  	_ = 	snop  }
0x6: {  	_ = 	snop  }
0x7: {  	_ = 	snop  }
__scs_overlays_trampoline_lowered:
0x8: {  	[smem:$0x3FAC] =	sst s0  }
0x9: {  	[smem:$0x3FAD] =	sst s1  }
0xa: {  	[smem:$0x3FAE] =	sst s2  }
0xb: {  	[smem:$0x3FAF] =	sst s3  }
0xc: {  	[smem:$0x3FB0] =	sst s4  }
0xd: {  	[smem:$0x3FB1] =	sst s5  }
0xe: {  	[smem:$0x3FB2] =	sst s6  }
0xf: {  	[smem:$0x3FB3] =	sst s7  }
0x10: {  	[smem:$0x3FB4] =	sst s8  }
0x11: {  	[smem:$0x3FB5] =	sst s9;
	s0 =	simm.s32 @!p0 $0x0  }
0x12: {  	s1 =	sld [smem:$0x3F9B];
	s0 =	simm.s32 @p0 $0x1  }
0x13: {  	[smem:$0x3FB6] =	sst s0;
	s0 =	simm.s32 @!p1 $0x0  }
0x14: {  	s2 =	sld [smem:$0x3F9A];
	s0 =	simm.s32 @p1 $0x1  }
0x15: {  	[smem:$0x3FB7] =	sst s0;
	s0 =	simm.s32 @!p2 $0x0  }
0x16: {  	s3 =	sld [smem:$0x3FDB];
	s0 =	simm.s32 @p2 $0x1  }
0x17: {  	s4 =	simm.s32 $0x1BF5;
	[smem:$0x3FB9] =	sst s0  }
0x18: {  	s0 =	sld [smem:$0x3F9C];
	_ =	swait.ge [sflag:s4], $0x0  }
0x19: {  	s7 =	sld [smem:$0x3F9D]  }
0x1a: {  	s8 =	sadd.s32 $0xFFFFE003, lr  }
0x1b: {  	s9 =	sadd.s32 $0xFFFFFEF7, lr;
	s5 =	simm.s32 $0xFFFFFFFF;
	p2 =	slt.u32 s8, $0xFFFFF086  }
0x1c: {  	p1 =	slt.u32 s9, $0xF7A;
	s5 =	simm.s32 @!p2 $0x0  }
0x1d: {  	s5 =	simm.s32 @p1 $0x1;
	p0 =	seq.s32 s7, s2  }
0x1e: {  	s7 =	smul.u32 @!p0 $0xF7A, s2;
	p2 =	seq.s32 @!p0 s5, $0x0  }
0x1f: {  	s9 =	smul.u32 $0xF7A, s1;
	s8 =	simm.s32 @!p0 $0x1BF5;
	p2 =	por !p2, p0  }
0x20: {  	[sflag:s8] =	ssyncset.s32 @!p0 $0xFFFFF086;
	s6 =	sadd.s32 @!p0 s3, s7;
	s7 =	simm.s32 @!p0 $0x108  }
0x21: {  	s3 =	sadd.s32 s3, s9;
	s6 =	sadd.s32 @!p0 $0x88, s6;
	s7 =	simm.s32 @p2 $0x1082  }
0x22: {  	[simem:s7], [sflag:s8] =	dma.local @!p0 [hbm:s6], $0xF7A  }
0x23: {  	s9 =	sor.u32 $0xD0000000, s2;
	s6 =	simm.s32 $0x108;
	_ =	swait.ge @!p0 [sflag:s8], $0x0  }
0x24: {  	s3 =	sadd.s32 $0x88, s3;
	s6 =	simm.s32 @!p1 $0x1082;
	[sflag:s4] =	ssyncset.s32 $0xFFFFF086  }
0x25: {  	[simem:s6], [sflag:s4] =	dma.local [hbm:s3], $0xF7A  }
0x26: {  	[smem:$0x3F9D] =	sst s1;
	(tag) =	ssettag s2;
	_ =	strace s9  }
0x27: {  	s1 =	sld [smem:$0x3FAD]  }
0x28: {  	s2 =	sld [smem:$0x3FAE]  }
0x29: {  	s4 =	sld [smem:$0x3FB0]  }
0x2a: {  	p0 =	seq.s32 s5, $0x0;
	s5 =	sld [smem:$0x3FB1]  }
0x2b: {  	s6 =	sld [smem:$0x3FB2]  }
0x2c: {  	s7 =	sld [smem:$0x3FB3]  }
0x2d: {  	s3 =	simm.s32 $0x108;
	s8 =	sld [smem:$0x3FB4]  }
0x2e: {  	s3 =	simm.s32 @!p0 $0x1082;
	s9 =	sld [smem:$0x3FB5]  }
0x2f: {  	lr =	sadd.s32 s0, s3;
	s0 =	sld [smem:$0x3FAC]  }
0x30: {  	s3 =	sld [smem:$0x3FAF]  }
0x31: {  	[smem:$0x3FB8] =	sst s10  }
0x32: {  	s10 =	sld [smem:$0x3FB6];
	_ =	sdelay $0x3  }
0x33: {  	p0 =	seq.s32 s10, $0x1;
	s10 =	sld [smem:$0x3FB8];
	_ =	sdelay $0x3  }
0x34: {  	[smem:$0x3FB8] =	sst s10  }
0x35: {  	s10 =	sld [smem:$0x3FB7];
	_ =	sdelay $0x3  }
0x36: {  	p1 =	seq.s32 s10, $0x1;
	s10 =	sld [smem:$0x3FB8];
	_ =	sdelay $0x3  }
0x37: {  	[smem:$0x3FB8] =	sst s10  }
0x38: {  	s10 =	sld [smem:$0x3FB9]  }
0x39: {  	_ = 	snop;
	(pc) =	sbr.ind lr, $3  }
0x3a: {  	_ = 	snop  }
0x3b: {  	_ = 	snop  }
0x3c: {  	p2 =	seq.s32 s10, $0x1;
	s10 =	sld [smem:$0x3FB8]  }
0x3d: {  	_ =	shalt  }
0x3e: {  	_ =	shalt  }
0x3f: {  	_ =	shalt  }
0x40: {  	_ =	shalt  }
0x41: {  	_ =	shalt  }
0x42: {  	_ =	shalt  }
0x43: {  	_ =	shalt  }
0x44: {  	_ =	shalt  }
0x45: {  	_ =	shalt  }
0x46: {  	_ =	shalt  }
0x47: {  	_ =	shalt  }
0x48: {  	_ =	shalt  }
0x49: {  	_ =	shalt  }
0x4a: {  	_ =	shalt  }
0x4b: {  	_ =	shalt  }
0x4c: {  	_ =	shalt  }
0x4d: {  	_ =	shalt  }
0x4e: {  	_ =	shalt  }
0x4f: {  	_ =	shalt  }
0x50: {  	_ =	shalt  }
0x51: {  	_ =	shalt  }
0x52: {  	_ =	shalt  }
0x53: {  	_ =	shalt  }
0x54: {  	_ =	shalt  }
0x55: {  	_ =	shalt  }
0x56: {  	_ =	shalt  }
0x57: {  	_ =	shalt  }
0x58: {  	_ =	shalt  }
0x59: {  	_ =	shalt  }
0x5a: {  	_ =	shalt  }
0x5b: {  	_ =	shalt  }
0x5c: {  	_ =	shalt  }
0x5d: {  	_ =	shalt  }
0x5e: {  	_ =	shalt  }
0x5f: {  	_ =	shalt  }
0x60: {  	_ =	shalt  }
0x61: {  	_ =	shalt  }
0x62: {  	_ =	shalt  }
0x63: {  	_ =	shalt  }
0x64: {  	_ =	shalt  }
0x65: {  	_ =	shalt  }
0x66: {  	_ =	shalt  }
0x67: {  	_ =	shalt  }
0x68: {  	_ =	shalt  }
0x69: {  	_ =	shalt  }
0x6a: {  	_ =	shalt  }
0x6b: {  	_ =	shalt  }
0x6c: {  	_ =	shalt  }
0x6d: {  	_ =	shalt  }
0x6e: {  	_ =	shalt  }
0x6f: {  	_ =	shalt  }
0x70: {  	_ =	shalt  }
0x71: {  	_ =	shalt  }
0x72: {  	_ =	shalt  }
0x73: {  	_ =	shalt  }
0x74: {  	_ =	shalt  }
0x75: {  	_ =	shalt  }
0x76: {  	_ =	shalt  }
0x77: {  	_ =	shalt  }
0x78: {  	_ =	shalt  }
0x79: {  	_ =	shalt  }
0x7a: {  	_ =	shalt  }
0x7b: {  	_ =	shalt  }
0x7c: {  	_ =	shalt  }
0x7d: {  	_ =	shalt  }
0x7e: {  	_ =	shalt  }
0x7f: {  	_ =	shalt  }
0x80: {  	_ =	shalt  }
0x81: {  	_ =	shalt  }
0x82: {  	_ =	shalt  }
0x83: {  	_ =	shalt  }
0x84: {  	_ =	shalt  }
0x85: {  	_ =	shalt  }
0x86: {  	_ =	shalt  }
0x87: {  	_ =	shalt  }
.Lfunc_end0:
.L_simem_size_0:
called_computation_lowered:
.L_overlay_start_0:
0x88: {  	s0 =	sld [smem:$0x3FD9]  }
0x89: {  	s1 =	sld [smem:$0x3FFE];
	_ =	sdelay $0x3  }
0x8a: {  	s0 =	sadd.s32 s1, s0  }
0x8b: {  	[smem:$0x3FC4] =	sst s0  }
0x8c: {  	_ = 	snop  }
0x8d: {  	s0 =	sld [smem:$0x3FD0];
	(tm) =	ssettm $0x1  }
0x8e: {  	s16 =	sld [smem:$0x3FFB];
	_ =	sdelay $0x3  }
0x8f: {  	_ =	strace s16  }
0x90: {  	s1 =	sld [smem:$0x3FFC];
	_ =	sdelay $0x3  }
0x91: {  	_ =	strace s1  }
0x92: {  	s1 =	sld [smem:$0x3FFD];
	_ =	sdelay $0x3  }
0x93: {  	_ =	strace s1  }
0x94: {  	_ =	strace $0x8FFFFFFF  }
0x95: {  	s17 =	sld [smem:$0x3FDB];
	_ =	sdelay $0x1  }
0x96: {  	s2 =	simm.s32 $_scs_section_size  }
0x97: {  	s3 =	simm.s32 $_size__tile_overlayer_lowered;
	s4 =	simm.s32 $_tile_overlayer_lowered  }
0x98: {  	s20 =	simm.s32 $0x1BFF;
	s19 =	sshll.u32 s4, $0x1;
	s1 =	sadd.s32 s2, s17  }
0x99: {  	s5 =	simm.s32 $0x0;
	s18 =	sshll.u32 s3, $0x1;
	s3 =	sadd.s32 s19, s1  }
0x9a: {  	[timem:s5], [sflag:s20] =	dma.local [hbm:s3], s18  }
0x9b: {  	_ =	swait.ge [sflag:s20], s18  }
0x9c: {  	s2 =	ssub.s32 $0x0, s18;
	[sflag:s20] =	ssyncset.done $0x0  }
0x9d: {  	[sflag:s20] =	ssyncadd.s32 s2;
	_ =	sdelay $0x1  }
0x9e: {  	s21 =	simm.s32 $0x1B8B  }
0x9f: {  	_ =	swait.ge [sflag:s21], $0x1  }
0xa0: {  	[sflag:s21] =	ssyncset.done $0x0  }
0xa1: {  	s23 =	simm.s32 $0x1B8E;
	s22 =	sld [smem:$0x3FFE];
	[sflag:s21] =	ssyncadd.s32 $0xFFFFFFFF  }
0xa2: {  	s24 =	simm.s32 $execute0_lowered;
	[smem:$0x3FD2] =	sst s23  }
0xa3: {  	s3 =	sshll.u32 s24, $0x1;
	_ =	strace $0x80000046;
	[dreg:$0x1] =	wrdreg $0xFFFFFFFF  }
0xa4: {  	s25 =	simm.s32 $_size_execute0_lowered;
	s1 =	sadd.s32 s1, s3;
	[dreg:$0x0] =	wrdreg $0x0  }
0xa5: {  	s3 =	sshll.u32 s25, $0x1;
	[dreg:$0x2] =	wrdreg s1  }
0xa6: {  	[dreg:$0x3] =	wrdreg s3  }
0xa7: {  	[dreg:$0x4] =	wrdreg $0xC0  }
0xa8: {  	_ =	task [dreg:s5], $0x5FFFF  }
0xa9: {  	[dreg:$0x1] =	wrdreg $0xFFFFFFFF  }
0xaa: {  	[dreg:$0x0] =	wrdreg $0x60  }
0xab: {  	[dreg:$0x2] =	wrdreg s22  }
0xac: {  	[dreg:$0x3] =	wrdreg s0  }
0xad: {  	[dreg:$0x4] =	wrdreg $0x9  }
0xae: {  	_ =	task.clear_ibuf [dreg:s5], $0x5FFFF;
	_ =	strace $0x90000046  }
0xaf: {  	s26 =	simm.s32 $0x9;
	_ =	strace $0x80000048  }
0xb0: {  	_ =	swait.ge [sflag:s26], $0x1  }
0xb1: {  	[sflag:s26] =	ssyncadd.s32 $0xFFFFFFFF  }
0xb2: {  	_ =	strace $0x90000048  }
0xb3: {  	_ =	sfence  }
0xb4: {  	s28 =	sld [smem:$0x0];
	_ =	sdelay $0x1  }
0xb5: {  	s29 =	srdreg.scid  }
0xb6: {  	s30 =	sshll.u32 s29, $0xD;
	s31 =	sshrl.u32 s29, $0x2  }
0xb7: {  	s2 =	sand.u32 $0x4000, s30;
	s1 =	sand.u32 $0x1, s29;
	s0 =	sadd.s32 s31, s28  }
0xb8: {  	s1 =	sor.u32 s2, s1;
	s0 =	sshll.u32 s0, $0x11  }
0xb9: {  	s0 =	sor.u32 s0, s1  }
0xba: {  	s0 =	sadd.s32 $0x8F2B, s0  }
0xbb: {  	[sflag:s0] =	ssyncadd.remote.s32 $0x1  }
0xbc: {  	_ =	sfence.sel $0xFFFF  }
0xbd: {  	[dreg:$0x0] =	wrdreg $0xFFFFFFFF;
	(pc) =	sbr.abs _section_cstart, $3  }
0xbe: {  	[dreg:$0x1] =	wrdreg $0xFFFFFFFF  }
0xbf: {  	_ =	task.clear_ibuf [dreg:s5], $0x2FFFF;
	_ =	strace $0x9FFFFFFF  }
0xc0: {  	(tm) =	ssettm $0x7FFFFFFF  }
0xc1: {  	_ =	shalt  }
tec
execute0_lowered:
.L_overlay_start_1:
0x0: {  	(tag) =	ssettag $0x1  }
0x1: {  	s5 =	rddreg [dreg:$0x0]  }
0x2: {  	s2 =	rddreg [dreg:$0x1];
	s1 =	stileid.u32  }
0x3: {  	s0 =	rddreg [dreg:$0x2];
	s3 =	simm.s32 $0x0;
	s4 =	sshll.u32 s1, $0x9  }
0x4: {  	[smem:$0x7FF] =	sst s3;
	s4 =	sadd.s32 s4, s5  }
0x5: {  	s28 =	simm.s32 $0x1;
	_ =	strace $0x80000047;
	s6 =	sadd.s32 $0xE00, s4  }
0x6: {  	[tilespmem:s3], [sflag:$0x1] =	stream.linear.gather [hbm4b:s6+s3], $0x1000, $0x38;
	[tilespmem:$0x3100] =	vst v63  }
0x7: {  	_ =	swait.ge [sflag:s28], $0x1000  }
0x8: {  	[sflag:s28] =	ssyncset.done $0x0  }
0x9: {  	s8 =	simm.s32 $0x1000;
	s7 =	sadd.s32 $0x2E00, s4;
	[sflag:s28] =	ssyncadd.s32 $0xFFFFF000  }
0xa: {  	[tilespmem:s8], [sflag:$0x1] =	stream.linear.gather [hbm4b:s7+s3], $0x1000, $0x38;
	[tilespmem:$0x3100] =	vst v63  }
0xb: {  	_ =	swait.ge [sflag:s28], $0x1000  }
0xc: {  	[sflag:s28] =	ssyncset.done $0x0  }
0xd: {  	s29 =	simm.s32 $0x2000;
	s4 =	sadd.s32 $0x4E00, s4;
	[sflag:s28] =	ssyncadd.s32 $0xFFFFF000  }
0xe: {  	[tilespmem:s29], [sflag:$0x1] =	stream.linear.gather [hbm4b:s4+s3], $0x1000, $0x38;
	[tilespmem:$0x3100] =	vst v63  }
0xf: {  	_ =	swait.ge [sflag:s28], $0x1000  }
0x10: {  	[sflag:s28] =	ssyncset.done $0x0  }
0x11: {  	s30 =	simm.s32 $0x3000;
	[sflag:s28] =	ssyncadd.s32 $0xFFFFF000  }
0x12: {  	[tilespmem:s30], [sflag:$0x1] =	stream.linear.gather [hbm4b:s2+s3], $0x10, $0x38;
	[tilespmem:$0x3100] =	vst v63  }
0x13: {  	_ =	swait.ge [sflag:s28], $0x10  }
0x14: {  	[sflag:s28] =	ssyncset.done $0x0  }
0x15: {  	s31 =	simm.s32 $0x0;
	[sflag:s28] =	ssyncadd.s32 $0xFFFFFFF0  }
0x16: {  	v0 =	vld [tilespmem:s31+$0x1000];
	_ =	sdelay $0x1  }
0x17: {  	v1 =	vld [tilespmem:$0x3000];
	_ =	sdelay $0x1  }
0x18: {  	s2 =	simm.s32 $0x10  }
0x19: {  	v3 =	vld [tilespmem:s2+$0x1000];
	v0 =	vsub.f32 $1.000000000e+00, v0;
	_ =	sdelay $0x1  }
0x1a: {  	v9 =	vbroadcast v1, $0x9;
	v0 =	vmul.f32 $1.000000000e+01, v0  }
0x1b: {  	v10 =	vbroadcast v1, $0x8;
	v8 =	vbroadcast v1, $0x7  }
0x1c: {  	v7 =	vbroadcast v1, $0x6;
	v0 =	vtrunc.f32 v0  }
0x1d: {  	v6 =	vbroadcast v1, $0x5;
	v4 =	vsub.f32 $1.000000000e+00, v3;
	v11 =	vcvt.f32.s32 v0  }
0x1e: {  	v5 =	vbroadcast v1, $0x4;
	v2 =	vbroadcast v1, $0x3  }
0x1f: {  	v3 =	vbroadcast v1, $0x2;
	v13 =	vmul.f32 $1.000000000e+01, v4;
	vm0 =	veq.s32 v11, $0x8  }
0x20: {  	s3 =	simm.s32 $0x20;
	v4 =	vbroadcast v1, $0x0;
	v12 =	vsel vm0, v10, v9;
	vm0 =	veq.s32 v11, $0x7  }
0x21: {  	v13 =	vtrunc.f32 v13;
	v0 =	vbroadcast v1, $0x1;
	v1 =	vsel vm0, v8, v12;
	v12 =	vld [tilespmem:s3+$0x1000]  }
0x22: {  	v13 =	vcvt.f32.s32 v13  }
0x23: {  	vm1 =	veq.s32 v11, $0x6;
	vm2 =	veq.s32 v11, $0x4;
	vm3 =	veq.s32 v11, $0x3  }
0x24: {  	vm4 =	veq.s32 v13, $0x8;
	vm5 =	veq.s32 v13, $0x6;
	vm15 =	veq.s32 v13, $0x7  }
0x25: {  	vm6 =	veq.s32 v13, $0x5;
	v15 =	vsel vm4, v10, v9;
	vm0 =	veq.s32 v11, $0x5  }
0x26: {  	v15 =	vsel vm15, v8, v15;
	v14 =	vsel vm1, v7, v1;
	v12 =	vsub.f32 $1.000000000e+00, v12  }
0x27: {  	s4 =	simm.s32 $0x30;
	v16 =	vld [tilespmem:s31+$0x2000];
	vm1 =	veq.s32 v11, $0x2;
	v15 =	vsel vm5, v7, v15;
	v14 =	vsel vm0, v6, v14  }
0x28: {  	v17 =	vld [tilespmem:s4+$0x1000];
	vm0 =	veq.s32 v11, $0x1;
	v14 =	vsel vm2, v5, v14;
	v12 =	vmul.f32 $1.000000000e+01, v12  }
0x29: {  	v15 =	vsel vm6, v6, v15;
	vm0 =	vmmov vm0;
	v14 =	vsel vm3, v2, v14  }
0x2a: {  	vm2 =	veq.s32 v13, $0x2;
	v14 =	vsel vm1, v3, v14;
	v12 =	vtrunc.f32 v12  }
0x2b: {  	v14 =	vsel vm0, v0, v14;
	vm0 =	vlt.s32 v11, $0x1;
	v11 =	vcvt.f32.s32 v12  }
0x2c: {  	vm3 =	veq.s32 v13, $0x3;
	v12 =	vsel vm0, v4, v14;
	vm0 =	veq.s32 v13, $0x4  }
0x2d: {  	v12 =	vmul.f32 v12, v16;
	v16 =	vsub.f32 $1.000000000e+00, v17;
	vm8 =	veq.s32 v11, $0x8  }
0x2e: {  	v15 =	vsel vm0, v5, v15;
	vm10 =	veq.s32 v11, $0x7;
	v14 =	vsel vm8, v10, v9  }
0x2f: {  	vm9 =	veq.s32 v11, $0x6;
	v12 =	vmax.f32 v12, $1.000000010e-10;
	v14 =	vsel vm10, v8, v14  }
0x30: {  	vm11 =	veq.s32 v11, $0x5;
	(erf) = vrcp.f32 v12;
	v12 =	vsel vm9, v7, v14;
	v14 =	vld [tilespmem:s2+$0x2000]  }
0x31: {  	vm1 =	veq.s32 v13, $0x1;
	v17 =	vsel vm11, v6, v12;
	v12 =	vsel vm3, v2, v15  }
0x32: {  	vm1 =	vmmov vm1;
	v16 =	vmul.f32 $1.000000000e+01, v16;
	v12 =	vsel vm2, v3, v12  }
0x33: {  	s6 =	simm.s32 $0x40;
	vm2 =	vlt.s32 v13, $0x1;
	v18 =	vsel vm1, v0, v12  }
0x34: {  	v1 =	vimm.f32 $0.0e+00;
	v16 =	vtrunc.f32 v16;
	v15 =	vld [tilespmem:s6+$0x1000];
	v13 =	vsel vm2, v4, v18  }
0x35: {  	vm0 =	veq.s32 v11, $0x1;
	v12 =	vcvt.f32.s32 v16;
	v13 =	vmul.f32 v13, v14  }
0x36: {  	vm3 =	veq.s32 v11, $0x3;
	vm1 =	veq.s32 v11, $0x2;
	v16 =	vld [tilespmem:s31+$0x0];
	vm2 =	veq.s32 v11, $0x4  }
0x37: {  	vm12 =	veq.s32 v12, $0x8;
	vm13 =	veq.s32 v12, $0x6;
	v13 =	vmax.f32 v13, $1.000000010e-10  }
0x38: {  	vm14 =	veq.s32 v12, $0x5;
	vm15 =	veq.s32 v12, $0x7;
	v14 =	vsel vm12, v10, v9  }
0x39: {  	v17 =	vsel vm2, v5, v17;
	v18 =	vsub.f32 $1.000000000e+00, v15;
	v14 =	vsel vm15, v8, v14  }
0x3a: {  	v17 =	vsel vm3, v2, v17;
	(erf) = vrcp.f32 v13;
	v14 =	vsel vm13, v7, v14;
	v13 =	vpop (erf)  }
0x3b: {  	s5 =	sadd.s32 $0x6E00, s5;
	s7 =	simm.s32 $0x140;
	v15 =	vld [tilespmem:s3+$0x2000];
	v14 =	vsel vm14, v6, v14;
	v13 =	vmul.f32 v13, v16;
	v16 =	vmul.f32 $1.000000000e+01, v18  }
.LBB2_1:
0x3c: {  	v17 =	vsel vm1, v3, v17  }
0x3d: {  	s8 =	sshra.s32 s7, $0x2;
	p0 =	sne.s32 s7, $0x3FC0;
	s7 =	sadd.s32 $0x40, s7;
	v1 =	vadd.f32 v13, v1;
	vm1 =	vmmov vm0;
	vm0 =	veq.s32 v12, $0x1  }
0x3e: {  	vm2 =	vlt.s32 v11, $0x1;
	v11 =	vmovc v12;
	v13 =	vld [tilespmem:s8+$0x1000];
	v16 =	vtrunc.f32 v16;
	v17 =	vsel vm1, v0, v17  }
0x3f: {  	vm1 =	veq.s32 v11, $0x2;
	v12 =	vcvt.f32.s32 v16;
	v16 =	vsel vm2, v4, v17;
	v17 =	vld [tilespmem:s2+$0x0];
	s2 =	smov.u32 s3;
	s3 =	smov.u32 s4;
	s4 =	smov.u32 s6  }
0x40: {  	vm3 =	veq.s32 v11, $0x3;
	vm2 =	veq.s32 v11, $0x4;
	s6 =	smov.u32 s8;
	v15 =	vmul.f32 v16, v15  }
.Ltmp0:
0x41: {  	vm4 =	veq.s32 v12, $0x8;
	vm5 =	veq.s32 v12, $0x6;
	vm6 =	veq.s32 v12, $0x5;
	(pc) =	sbr.rel @p0 .LBB2_1-.Ltmp0, $4  }
0x42: {  	v19 =	vsel vm4, v10, v9;
	vm4 =	veq.s32 v12, $0x7;
	v15 =	vmax.f32 v15, $1.000000010e-10  }
0x43: {  	v18 =	vsub.f32 $1.000000000e+00, v13;
	v13 =	vsel vm4, v8, v19;
	(erf) = vrcp.f32 v15;
	v16 =	vpop (erf)  }
0x44: {  	v20 =	vsel vm2, v5, v14;
	v19 =	vsel vm5, v7, v13;
	v15 =	vld [tilespmem:s3+$0x2000];
	v13 =	vmul.f32 v16, v17  }
0x45: {  	v17 =	vsel vm3, v2, v20;
	v16 =	vmul.f32 $1.000000000e+01, v18;
	v14 =	vsel vm6, v6, v19  }
0x46: {  	v17 =	vsel vm1, v3, v17;
	vm0 =	vmmov vm0;
	vm13 =	vlt.s32 v11, $0x1  }
0x47: {  	vm14 =	veq.s32 v12, $0x1;
	vm2 =	veq.s32 v12, $0x2;
	v16 =	vtrunc.f32 v16  }
0x48: {  	vm15 =	veq.s32 v12, $0x4;
	vm3 =	veq.s32 v12, $0x3;
	v41 =	vcvt.f32.s32 v16  }
0x49: {  	v17 =	vsel vm0, v0, v17;
	v44 =	vsel vm15, v5, v14;
	vm1 =	vmmov vm14  }
0x4a: {  	v42 =	vsel vm13, v4, v17;
	v46 =	vsel vm3, v2, v44;
	vm4 =	veq.s32 v41, $0x8  }
0x4b: {  	vm13 =	vlt.s32 v12, $0x1;
	vm9 =	veq.s32 v41, $0x7;
	v9 =	vsel vm4, v10, v9  }
0x4c: {  	v15 =	vmul.f32 v42, v15;
	vm5 =	veq.s32 v41, $0x6;
	v8 =	vsel vm9, v8, v9  }
0x4d: {  	v45 =	vld [tilespmem:s4+$0x2000];
	vm6 =	veq.s32 v41, $0x5;
	vm10 =	veq.s32 v41, $0x1;
	v7 =	vsel vm5, v7, v8  }
0x4e: {  	vm11 =	veq.s32 v41, $0x4;
	vm12 =	veq.s32 v41, $0x3;
	v6 =	vsel vm6, v6, v7  }
0x4f: {  	v47 =	vld [tilespmem:s6+$0x2000];
	vm14 =	veq.s32 v41, $0x2;
	v7 =	vsel vm2, v3, v46;
	v48 =	vsel vm11, v5, v6  }
0x50: {  	vm15 =	vlt.s32 v41, $0x1;
	v7 =	vsel vm1, v0, v7;
	v49 =	vsel vm12, v2, v48  }
0x51: {  	vm0 =	vmmov vm10;
	v50 =	vsel vm13, v4, v7;
	v2 =	vsel vm14, v3, v49  }
0x52: {  	v43 =	vmax.f32 v15, $1.000000010e-10;
	v51 =	vmul.f32 v50, v45;
	v52 =	vsel vm0, v0, v2  }
0x53: {  	(erf) = vrcp.f32 v43;
	v0 =	vsel vm15, v4, v52  }
0x54: {  	v53 =	vmax.f32 v51, $1.000000010e-10;
	v0 =	vmul.f32 v0, v47  }
0x55: {  	(erf) = vrcp.f32 v53  }
0x56: {  	v54 =	vld [tilespmem:s2+$0x0];
	v0 =	vmax.f32 v0, $1.000000010e-10  }
0x57: {  	(erf) = vrcp.f32 v0  }
0x58: {  	v55 =	vld [tilespmem:s3+$0x0];
	_ =	sdelay $0x1  }
0x59: {  	v57 =	vld [tilespmem:s4+$0x0];
	v56 =	vpop (erf)  }
0x5a: {  	v1 =	vadd.f32 v13, v1;
	v2 =	vmul.f32 v56, v54  }
0x5b: {  	v59 =	vld [tilespmem:s6+$0x0];
	v58 =	vpop (erf)  }
0x5c: {  	v1 =	vadd.f32 v2, v1;
	v0 =	vmul.f32 v58, v55  }
0x5d: {  	v60 =	vpop (erf)  }
0x5e: {  	v0 =	vadd.f32 v0, v1;
	v61 =	vmul.f32 v60, v57  }
0x5f: {  	v62 =	vpop (erf)  }
0x60: {  	v0 =	vadd.f32 v61, v0;
	v63 =	vmul.f32 v62, v59;
	_ =	sdelay $0x1  }
0x61: {  	v0 =	vadd.f32 v63, v0;
	_ =	sdelay $0x1  }
0x62: {  	v0 =	vmul.f32 $1.525878910e-05, v0  }
0x63: {  	s28 =	sshll.u32 s1, $0x4;
	s29 =	simm.s32 $0x0  }
0x64: {  	s30 =	simm.s32 $0x3080;
	s31 =	simm.s32 $0x1;
	s2 =	sadd.s32 s5, s28;
	[tilespmem:$0x3080] =	vst v0  }
0x65: {  	[hbm4b:s2+s29] =	stream.linear.scatter [tilespmem:s30], [sflag:$0x1], $0x80, $0x38;
	[tilespmem:$0x3100] =	vst v63  }
0x66: {  	_ =	swait.ge [sflag:s31], $0x80  }
0x67: {  	[sflag:s31] =	ssyncset.done $0x0  }
0x68: {  	[sflag:s31] =	ssyncadd.s32 $0xFFFFFF80  }
0x69: {  	_ =	sfence.sel $0x180000  }
0x6a: {  	[bflag:$0x0] =	sbarrier.arrive $0xFFFF  }
0x6b: {  	p0 =	sne.s32 s1, $0x0;
	_ =	strace $0x90000047  }
0x6c: {  	s0 =	sadd.s32 @!p0 $0x100000, s0;
	[bflag:$0x2] =	sbarrier.arrive $0xFFFF  }
0x6d: {  	[sflag:s0] =	ssyncadd.tile.s32 @!p0 $0x1;
	_ =	shalt  }
.Lfunc_end2:
_tile_overlayer_lowered:
.L_overlay_start_2:
0x6e: {  	(tag) =	ssettag $0x2  }
0x6f: {  	s0 =	rddreg [dreg:$0x0];
	s2 =	stileid.u32  }
0x70: {  	s1 =	rddreg [dreg:$0x1];
	p0 =	sne.s32 s2, $0x0  }
0x71: {  	s3 =	rddreg [dreg:$0x2];
	[bflag:$0x3] =	sbarrier.arrive $0xFFFF;
	s2 =	simm.s32 @!p0 $0x1C01  }
0x72: {  	[timem:s3], [sflag:s2] =	dma.local @!p0 [hbm:s0], s1  }
0x73: {  	s0 =	simm.s32 @!p0 $0x1  }
0x74: {  	_ =	swait.ge @!p0 [sflag:s0], s1  }
0x75: {  	s1 =	ssub.s32 @!p0 $0x0, s1;
	[sflag:s0] =	ssyncset.done @!p0 $0x0  }
0x76: {  	[sflag:s0] =	ssyncadd.s32 @!p0 s1  }
0x77: {  	[bflag:$0x3] =	sbarrier.arrive $0xFFFF  }
0x78: {  	_ =	shalt  }

</sc_bundles>
